<compile_context>
chip_gen: v7x
topology: tpu7x:2x2x1
jax: 0.10.2.dev20260603
libtpu: 0.0.44.dev20260713+nightly
codegen_flags: <defaults>
</compile_context>

<pallas_src>
import functools

import jax
import jax.numpy as jnp
import numpy as np
from jax import lax
from jax.experimental import pallas as pl
from jax.experimental.pallas import tpu as pltpu
from jax.experimental.pallas import tpu_sc as plsc

N = 10000
E = 320000
DIM = 128
H = 8
HD = DIM // H
HID = DIM * 2

NC = 2
NS = 16
ACCW = DIM + 16
EPT = E // (NC * NS)
C = 80
NCH = EPT // C
NP = 10240
RPT = NP // NS

_BN = 1000
_GRID = N // _BN


def _pre_body(x_ref, win_ref, bin_ref, wu2_ref, bu2_ref, wv2_ref,
              h_ref, su_ref, sv_ref):
    h = jnp.dot(x_ref[...], win_ref[...],
                preferred_element_type=jnp.float32) + bin_ref[...]
    h_ref[...] = h
    su_ref[...] = jnp.dot(h, wu2_ref[...],
                          preferred_element_type=jnp.float32) + bu2_ref[...]
    sv_ref[...] = jnp.dot(h, wv2_ref[...],
                          preferred_element_type=jnp.float32)


def _post_body(a0_ref, a1_ref, p_ref, w1_ref, b1_ref, w2_ref, b2_ref,
               out_ref):
    a = a0_ref[...] + a1_ref[...]
    den = jnp.dot(a[:, DIM:ACCW], p_ref[...],
                  preferred_element_type=jnp.float32)
    den = jnp.where(den <= 0.0, 1.0, den)
    agg = a[:, :DIM] / den
    f = jnp.dot(agg, w1_ref[...], preferred_element_type=jnp.float32)
    f = f + b1_ref[...]
    f = 0.5 * f * (1.0 + lax.erf(f * np.float32(1.0 / np.sqrt(2.0))))
    out_ref[...] = jnp.dot(f, w2_ref[...],
                           preferred_element_type=jnp.float32) + b2_ref[...]


def _edge_body(su_hbm, sv_hbm, h_hbm, src_hbm, dst_hbm, zeros_hbm, out_hbm,
               src_idx, dst_idx, su_buf, sv_buf, hrows, msg, acc,
               sem0, sem1, sem2):
    c = lax.axis_index("c")
    s = lax.axis_index("s")
    tile_lo = s * RPT
    pltpu.sync_copy(zeros_hbm.at[pl.ds(tile_lo, RPT)],
                    acc.at[pl.ds(tile_lo, RPT)])
    plsc.subcore_barrier()

    base_t = (c * NS + s) * EPT

    def chunk_body(j, _):
        base = base_t + j * C
        pltpu.sync_copy(src_hbm.at[pl.ds(base, C)], src_idx)
        pltpu.sync_copy(dst_hbm.at[pl.ds(base, C)], dst_idx)
        ga = pltpu.async_copy(su_hbm.at[src_idx], su_buf, sem0)
        gb = pltpu.async_copy(sv_hbm.at[dst_idx], sv_buf, sem1)
        gc = pltpu.async_copy(h_hbm.at[src_idx], hrows, sem2)
        ga.wait()
        gb.wait()
        gc.wait()

        def edge_body(e, _):
            t = su_buf[e, :] + sv_buf[e, :]
            t = jnp.where(t >= 0.0, t, 0.2 * t)
            w = jnp.exp(t)
            msg[e, pl.ds(DIM, 16)] = w
            for k in range(HD // 2):
                msg[e, pl.ds(k * 16, 16)] = hrows[e, pl.ds(k * 16, 16)] * w
            return 0

        lax.fori_loop(0, C, edge_body, 0)
        pltpu.sync_copy(msg, acc.at[dst_idx], add=True)
        return 0

    lax.fori_loop(0, NCH, chunk_body, 0)
    plsc.subcore_barrier()
    pltpu.sync_copy(acc.at[pl.ds(tile_lo, RPT)],
                    out_hbm.at[c, pl.ds(tile_lo, RPT)])


@functools.cache
def _edge_kernel():
    return pl.kernel(
        _edge_body,
        out_type=jax.ShapeDtypeStruct((NC, NP, ACCW), jnp.float32),
        mesh=plsc.VectorSubcoreMesh(core_axis_name="c", subcore_axis_name="s",
                                    num_cores=NC, num_subcores=NS),
        scratch_types=[
        pltpu.VMEM((C,), jnp.int32),
        pltpu.VMEM((C,), jnp.int32),
        pltpu.VMEM((C, 16), jnp.float32),
        pltpu.VMEM((C, 16), jnp.float32),
        pltpu.VMEM((C, DIM), jnp.float32),
        pltpu.VMEM((C, ACCW), jnp.float32),
        pltpu.VMEM_SHARED((NP, ACCW), jnp.float32),
        pltpu.SemaphoreType.DMA,
        pltpu.SemaphoreType.DMA,
        pltpu.SemaphoreType.DMA,
        ],
        compiler_params=pltpu.CompilerParams(use_tc_tiling_on_sc=False),
    )

_P = np.zeros((16, DIM), dtype=np.float32)
for _h in range(H):
    _P[_h, np.arange(HD) * H + _h] = 0.5
    _P[_h + H, np.arange(HD) * H + _h] = 0.5


@jax.jit
def kernel(x, edge_index, W_in, b_in, W_u, b_u, W_v, W1, b1, W2, b2):
    wu2 = jnp.concatenate([W_u, W_u], axis=1)
    wv2 = jnp.concatenate([W_v, W_v], axis=1)
    bu2 = jnp.concatenate([b_u, b_u])[None, :]

    h, surep, svrep = pl.pallas_call(
        _pre_body,
        grid=(_GRID,),
        in_specs=[
            pl.BlockSpec((_BN, DIM), lambda i: (i, 0)),
            pl.BlockSpec((DIM, DIM), lambda i: (0, 0)),
            pl.BlockSpec((1, DIM), lambda i: (0, 0)),
            pl.BlockSpec((DIM, 16), lambda i: (0, 0)),
            pl.BlockSpec((1, 16), lambda i: (0, 0)),
            pl.BlockSpec((DIM, 16), lambda i: (0, 0)),
        ],
        out_specs=[
            pl.BlockSpec((_BN, DIM), lambda i: (i, 0)),
            pl.BlockSpec((_BN, 16), lambda i: (i, 0)),
            pl.BlockSpec((_BN, 16), lambda i: (i, 0)),
        ],
        out_shape=[
            jax.ShapeDtypeStruct((N, DIM), jnp.float32),
            jax.ShapeDtypeStruct((N, 16), jnp.float32),
            jax.ShapeDtypeStruct((N, 16), jnp.float32),
        ],
    )(x, W_in, b_in.reshape(1, DIM), wu2, bu2, wv2)

    ei = edge_index.astype(jnp.int32)
    zeros = jnp.zeros((NP, ACCW), jnp.float32)
    accs = _edge_kernel()(surep, svrep, h, ei[0], ei[1], zeros)[:, :N, :]

    out = pl.pallas_call(
        _post_body,
        grid=(_GRID,),
        in_specs=[
            pl.BlockSpec((_BN, ACCW), lambda i: (i, 0)),
            pl.BlockSpec((_BN, ACCW), lambda i: (i, 0)),
            pl.BlockSpec((16, DIM), lambda i: (0, 0)),
            pl.BlockSpec((DIM, HID), lambda i: (0, 0)),
            pl.BlockSpec((1, HID), lambda i: (0, 0)),
            pl.BlockSpec((HID, DIM), lambda i: (0, 0)),
            pl.BlockSpec((1, DIM), lambda i: (0, 0)),
        ],
        out_specs=pl.BlockSpec((_BN, DIM), lambda i: (i, 0)),
        out_shape=jax.ShapeDtypeStruct((N, DIM), jnp.float32),
    )(accs[0], accs[1], _P, W1, b1.reshape(1, HID), W2, b2.reshape(1, DIM))
    return out

# --- scband reference (transcript-rebuilt; emitter-appended) ---
"""Pipeline reference for scband-gatmodule-20177756356919 (READ-ONLY COPY).

The authoritative reference and input builder live on the scoring server;
editing this copy changes nothing except your own understanding.
"""

import jax, jax.numpy as jnp
import numpy as np

N = 10000
E = 320000
DIM = 128
H = 8
HD = DIM // H
HID = DIM * 2


def setup_inputs(seed: int = 0) -> dict:
    key = jax.random.key(seed)
    ks = jax.random.split(key, 12)
    x = jax.random.normal(ks[0], (N, DIM), dtype=jnp.float32)
    edge_index = jax.random.randint(ks[1], (2, E), 0, N)
    s_in = 1.0 / np.sqrt(DIM)
    s_hid = 1.0 / np.sqrt(HID)
    W_in = jax.random.normal(ks[2], (DIM, DIM), dtype=jnp.float32) * s_in
    b_in = jax.random.normal(ks[3], (DIM,), dtype=jnp.float32) * s_in
    W_u = jax.random.normal(ks[4], (DIM, H), dtype=jnp.float32) * s_in
    b_u = jax.random.normal(ks[5], (H,), dtype=jnp.float32) * s_in
    W_v = jax.random.normal(ks[6], (DIM, H), dtype=jnp.float32) * s_in
    W1 = jax.random.normal(ks[7], (DIM, HID), dtype=jnp.float32) * s_in
    b1 = jax.random.normal(ks[8], (HID,), dtype=jnp.float32) * s_in
    W2 = jax.random.normal(ks[9], (HID, DIM), dtype=jnp.float32) * s_hid
    b2 = jax.random.normal(ks[10], (DIM,), dtype=jnp.float32) * s_hid
    return {"x": x, "edge_index": edge_index, "W_in": W_in, "b_in": b_in,
            "W_u": W_u, "b_u": b_u, "W_v": W_v,
            "W1": W1, "b1": b1, "W2": W2, "b2": b2}


def reference(x, edge_index, W_in, b_in, W_u, b_u, W_v, W1, b1, W2, b2):
    src = edge_index[0]
    dst = edge_index[1]
    # input linear
    h = x @ W_in + b_in
    # attention scores per node
    su = h @ W_u + b_u            # [N, H]
    sv = h @ W_v                  # [N, H]
    # ops.u_add_v: per-edge score = src score + dst score
    e = jnp.take(su, src, axis=0) + jnp.take(sv, dst, axis=0)   # [E, H]
    e = jax.nn.leaky_relu(e, negative_slope=0.2)
    # edge_softmax over incoming edges of each destination node
    emax = jax.ops.segment_max(e, dst, num_segments=N)           # [N, H]
    eexp = jnp.exp(e - jnp.take(emax, dst, axis=0))              # [E, H]
    esum = jax.ops.segment_sum(eexp, dst, num_segments=N)        # [N, H]
    probs = eexp / jnp.take(esum, dst, axis=0)                   # [E, H]
    # ops.u_mul_e_sum: weighted aggregation of source features
    hh = h.reshape(N, HD, H)
    msg = jnp.take(hh, src, axis=0) * probs[:, None, :]          # [E, HD, H]
    agg = jax.ops.segment_sum(msg, dst, num_segments=N)          # [N, HD, H]
    out = agg.reshape(N, DIM)
    # feed-forward (dropout = identity in eval)
    f = out @ W1 + b1
    f = jax.nn.gelu(f, approximate=False)
    f = f @ W2 + b2
    return f

if __name__ == "__main__":
    import jax
    _d = setup_inputs()
    print(jax.jit(kernel)(*tuple(_d.values())))

</pallas_src>

<mosaic_0001>
#map = affine_map<(d0, d1) -> (0, 0)>
#map1 = affine_map<(d0, d1) -> (0)>
#map2 = affine_map<(d0, d1) -> (0, 0, 0)>
module attributes {stable_mosaic.version = 14 : i64} {
  func.func @_edge_body(%arg0: i32, %arg1: i32, %arg2: memref<10000x16xf32, #tpu.memory_space<hbm>>, %arg3: memref<10000x16xf32, #tpu.memory_space<hbm>>, %arg4: memref<10000x128xf32, #tpu.memory_space<hbm>>, %arg5: memref<320000xi32, #tpu.memory_space<hbm>>, %arg6: memref<320000xi32, #tpu.memory_space<hbm>>, %arg7: memref<10240x144xf32, #tpu.memory_space<hbm>>, %arg8: memref<2x10240x144xf32, #tpu.memory_space<hbm>>, %arg9: memref<80xi32, #tpu.memory_space<vmem>>, %arg10: memref<80xi32, #tpu.memory_space<vmem>>, %arg11: memref<80x16xf32, #tpu.memory_space<vmem>>, %arg12: memref<80x16xf32, #tpu.memory_space<vmem>>, %arg13: memref<80x128xf32, #tpu.memory_space<vmem>>, %arg14: memref<80x144xf32, #tpu.memory_space<vmem>>, %arg15: memref<10240x144xf32, #tpu.memory_space<vmem_shared>>, %arg16: memref<!tpu.dma_semaphore, #tpu.memory_space<semaphore_mem>>, %arg17: memref<!tpu.dma_semaphore, #tpu.memory_space<semaphore_mem>>, %arg18: memref<!tpu.dma_semaphore, #tpu.memory_space<semaphore_mem>>) attributes {dimension_semantics = [#tpu.dimension_semantics<core_parallel>, #tpu.dimension_semantics<subcore_parallel>], iteration_bounds = array<i64: 2, 16>, scalar_prefetch = 0 : i64, scratch_operands = 10 : i64, tpu.core_type = #tpu.core_type<sc_vector_subcore>, window_params = [{transform_indices = #map}, {transform_indices = #map}, {transform_indices = #map}, {transform_indices = #map1}, {transform_indices = #map1}, {transform_indices = #map}, {transform_indices = #map2}]} {
    %mul3A = arith.constant 640 : i32
    %mul3A_0 = arith.muli %arg1, %mul3A : i32
    "tpu.region"() ({
      %run_scoped3A = tpu.sem_alloc : memref<!tpu.dma_semaphore, #tpu.memory_space<semaphore_mem>>
      %dma_start3A = arith.constant 0 : i32
      %dma_start3A_12 = tpu.memref_slice %arg15[%mul3A_0, %dma_start3A] : memref<10240x144xf32, #tpu.memory_space<vmem_shared>> -> memref<640x144xf32, #tpu.memory_space<vmem_shared>>
      %dma_start3A_13 = arith.constant 0 : i32
      %dma_start3A_14 = tpu.memref_slice %arg7[%mul3A_0, %dma_start3A_13] : memref<10240x144xf32, #tpu.memory_space<hbm>> -> memref<640x144xf32, #tpu.memory_space<hbm>>
      tpu.enqueue_dma source(%dma_start3A_14 : memref<640x144xf32, #tpu.memory_space<hbm>>) target(%dma_start3A_12 : memref<640x144xf32, #tpu.memory_space<vmem_shared>>) target_semaphore(%run_scoped3A : memref<!tpu.dma_semaphore, #tpu.memory_space<semaphore_mem>>)
      %dma_wait3A = arith.constant 0 : i32
      %dma_wait3A_15 = tpu.memref_slice %arg15[%mul3A_0, %dma_wait3A] : memref<10240x144xf32, #tpu.memory_space<vmem_shared>> -> memref<640x144xf32, #tpu.memory_space<vmem_shared>>
      %dma_wait3A_16 = arith.constant 0 : i32
      %dma_wait3A_17 = tpu.memref_slice %arg7[%mul3A_0, %dma_wait3A_16] : memref<10240x144xf32, #tpu.memory_space<hbm>> -> memref<640x144xf32, #tpu.memory_space<hbm>>
      tpu.wait_dma2 semaphore(%run_scoped3A : memref<!tpu.dma_semaphore, #tpu.memory_space<semaphore_mem>>) src(%dma_wait3A_17 : memref<640x144xf32, #tpu.memory_space<hbm>>) dst(%dma_wait3A_15 : memref<640x144xf32, #tpu.memory_space<vmem_shared>>)
      tpu.yield
    }) : () -> ()
    %barrier3A = arith.constant 0 : index
    tpu.barrier barrier_id(%barrier3A)
    %mul3A_1 = arith.constant 16 : i32
    %mul3A_2 = arith.muli %arg0, %mul3A_1 : i32
    %add3A = arith.addi %mul3A_2, %arg1 : i32
    %mul3A_3 = arith.constant 10000 : i32
    %mul3A_4 = arith.muli %add3A, %mul3A_3 : i32
    %scan3A = arith.constant 0 : i32
    %scan3A_5 = arith.constant 0 : i32
    %scan3A_6 = arith.constant 125 : i32
    %scan3A_7 = arith.addi %scan3A_5, %scan3A_6 : i32
    %scan3A_8 = arith.constant 1 : i32
    %scan3A_9 = scf.for %scan3A_12 = %scan3A_5 to %scan3A_7 step %scan3A_8 iter_args(%scan3A_13 = %scan3A) -> (i32)  : i32 {
      %mul3A_14 = arith.constant 80 : i32
      %mul3A_15 = arith.muli %scan3A_12, %mul3A_14 : i32
      %add3A_16 = arith.addi %mul3A_4, %mul3A_15 : i32
      "tpu.region"() ({
        %run_scoped3A = tpu.sem_alloc : memref<!tpu.dma_semaphore, #tpu.memory_space<semaphore_mem>>
        %dma_start3A_41 = tpu.memref_slice %arg5[%add3A_16] : memref<320000xi32, #tpu.memory_space<hbm>> -> memref<80xi32, #tpu.memory_space<hbm>>
        %dma_start3A_42 = tpu.memref_slice %arg5[%add3A_16] : memref<320000xi32, #tpu.memory_space<hbm>> -> memref<80xi32, #tpu.memory_space<hbm>>
        tpu.enqueue_dma source(%dma_start3A_42 : memref<80xi32, #tpu.memory_space<hbm>>) target(%arg9 : memref<80xi32, #tpu.memory_space<vmem>>) target_semaphore(%run_scoped3A : memref<!tpu.dma_semaphore, #tpu.memory_space<semaphore_mem>>)
        %dma_wait3A_43 = tpu.memref_slice %arg5[%add3A_16] : memref<320000xi32, #tpu.memory_space<hbm>> -> memref<80xi32, #tpu.memory_space<hbm>>
        %dma_wait3A_44 = tpu.memref_slice %arg5[%add3A_16] : memref<320000xi32, #tpu.memory_space<hbm>> -> memref<80xi32, #tpu.memory_space<hbm>>
        tpu.wait_dma2 semaphore(%run_scoped3A : memref<!tpu.dma_semaphore, #tpu.memory_space<semaphore_mem>>) src(%dma_wait3A_44 : memref<80xi32, #tpu.memory_space<hbm>>) dst(%arg9 : memref<80xi32, #tpu.memory_space<vmem>>)
        tpu.yield
      }) : () -> ()
      "tpu.region"() ({
        %run_scoped3A = tpu.sem_alloc : memref<!tpu.dma_semaphore, #tpu.memory_space<semaphore_mem>>
        %dma_start3A_41 = tpu.memref_slice %arg6[%add3A_16] : memref<320000xi32, #tpu.memory_space<hbm>> -> memref<80xi32, #tpu.memory_space<hbm>>
        %dma_start3A_42 = tpu.memref_slice %arg6[%add3A_16] : memref<320000xi32, #tpu.memory_space<hbm>> -> memref<80xi32, #tpu.memory_space<hbm>>
        tpu.enqueue_dma source(%dma_start3A_42 : memref<80xi32, #tpu.memory_space<hbm>>) target(%arg10 : memref<80xi32, #tpu.memory_space<vmem>>) target_semaphore(%run_scoped3A : memref<!tpu.dma_semaphore, #tpu.memory_space<semaphore_mem>>)
        %dma_wait3A_43 = tpu.memref_slice %arg6[%add3A_16] : memref<320000xi32, #tpu.memory_space<hbm>> -> memref<80xi32, #tpu.memory_space<hbm>>
        %dma_wait3A_44 = tpu.memref_slice %arg6[%add3A_16] : memref<320000xi32, #tpu.memory_space<hbm>> -> memref<80xi32, #tpu.memory_space<hbm>>
        tpu.wait_dma2 semaphore(%run_scoped3A : memref<!tpu.dma_semaphore, #tpu.memory_space<semaphore_mem>>) src(%dma_wait3A_44 : memref<80xi32, #tpu.memory_space<hbm>>) dst(%arg10 : memref<80xi32, #tpu.memory_space<vmem>>)
        tpu.yield
      }) : () -> ()
      %dma_start3A = arith.constant 0 : i32
      %dma_start3A_17 = arith.constant 0 : i32
      %dma_start3A_18 = tpu.memref_slice %arg2[%dma_start3A, %dma_start3A_17] : memref<10000x16xf32, #tpu.memory_space<hbm>> -> memref<10000x16xf32, #tpu.memory_space<hbm>>
      tpu.enqueue_indirect_dma source(%dma_start3A_18 : memref<10000x16xf32, #tpu.memory_space<hbm>>) target(%arg11 : memref<80x16xf32, #tpu.memory_space<vmem>>) offsets(%arg9 : memref<80xi32, #tpu.memory_space<vmem>>) semaphore(%arg16 : memref<!tpu.dma_semaphore, #tpu.memory_space<semaphore_mem>>)
      %dma_start3A_19 = arith.constant 0 : i32
      %dma_start3A_20 = arith.constant 0 : i32
      %dma_start3A_21 = tpu.memref_slice %arg3[%dma_start3A_19, %dma_start3A_20] : memref<10000x16xf32, #tpu.memory_space<hbm>> -> memref<10000x16xf32, #tpu.memory_space<hbm>>
      tpu.enqueue_indirect_dma source(%dma_start3A_21 : memref<10000x16xf32, #tpu.memory_space<hbm>>) target(%arg12 : memref<80x16xf32, #tpu.memory_space<vmem>>) offsets(%arg10 : memref<80xi32, #tpu.memory_space<vmem>>) semaphore(%arg17 : memref<!tpu.dma_semaphore, #tpu.memory_space<semaphore_mem>>)
      %dma_start3A_22 = arith.constant 0 : i32
      %dma_start3A_23 = arith.constant 0 : i32
      %dma_start3A_24 = tpu.memref_slice %arg4[%dma_start3A_22, %dma_start3A_23] : memref<10000x128xf32, #tpu.memory_space<hbm>> -> memref<10000x128xf32, #tpu.memory_space<hbm>>
      tpu.enqueue_indirect_dma source(%dma_start3A_24 : memref<10000x128xf32, #tpu.memory_space<hbm>>) target(%arg13 : memref<80x128xf32, #tpu.memory_space<vmem>>) offsets(%arg9 : memref<80xi32, #tpu.memory_space<vmem>>) semaphore(%arg18 : memref<!tpu.dma_semaphore, #tpu.memory_space<semaphore_mem>>)
      %dma_wait3A = arith.constant 0 : i32
      %dma_wait3A_25 = arith.constant 0 : i32
      %dma_wait3A_26 = tpu.memref_slice %arg2[%dma_wait3A, %dma_wait3A_25] : memref<10000x16xf32, #tpu.memory_space<hbm>> -> memref<10000x16xf32, #tpu.memory_space<hbm>>
      tpu.wait_indirect_dma semaphore(%arg16 : memref<!tpu.dma_semaphore, #tpu.memory_space<semaphore_mem>>) src(%dma_wait3A_26 : memref<10000x16xf32, #tpu.memory_space<hbm>>) dst(%arg11 : memref<80x16xf32, #tpu.memory_space<vmem>>)
      %dma_wait3A_27 = arith.constant 0 : i32
      %dma_wait3A_28 = arith.constant 0 : i32
      %dma_wait3A_29 = tpu.memref_slice %arg3[%dma_wait3A_27, %dma_wait3A_28] : memref<10000x16xf32, #tpu.memory_space<hbm>> -> memref<10000x16xf32, #tpu.memory_space<hbm>>
      tpu.wait_indirect_dma semaphore(%arg17 : memref<!tpu.dma_semaphore, #tpu.memory_space<semaphore_mem>>) src(%dma_wait3A_29 : memref<10000x16xf32, #tpu.memory_space<hbm>>) dst(%arg12 : memref<80x16xf32, #tpu.memory_space<vmem>>)
      %dma_wait3A_30 = arith.constant 0 : i32
      %dma_wait3A_31 = arith.constant 0 : i32
      %dma_wait3A_32 = tpu.memref_slice %arg4[%dma_wait3A_30, %dma_wait3A_31] : memref<10000x128xf32, #tpu.memory_space<hbm>> -> memref<10000x128xf32, #tpu.memory_space<hbm>>
      tpu.wait_indirect_dma semaphore(%arg18 : memref<!tpu.dma_semaphore, #tpu.memory_space<semaphore_mem>>) src(%dma_wait3A_32 : memref<10000x128xf32, #tpu.memory_space<hbm>>) dst(%arg13 : memref<80x128xf32, #tpu.memory_space<vmem>>)
      %scan3A_33 = arith.constant 0 : i32
      %scan3A_34 = arith.constant 0 : i32
      %scan3A_35 = arith.constant 80 : i32
      %scan3A_36 = arith.addi %scan3A_34, %scan3A_35 : i32
      %scan3A_37 = arith.constant 1 : i32
      %scan3A_38 = scf.for %scan3A_41 = %scan3A_34 to %scan3A_36 step %scan3A_37 iter_args(%scan3A_42 = %scan3A_33) -> (i32)  : i32 {
        %get3A = arith.index_cast %scan3A_41 : i32 to index
        %get3A_43 = arith.constant 0 : index
        %get3A_44 = tpu.vector_load %arg11[%get3A, %get3A_43] {strides = array<i32>} : memref<80x16xf32, #tpu.memory_space<vmem>>, vector<1x16xf32>,
        %get3A_45 = vector.shape_cast %get3A_44 : vector<1x16xf32> to vector<16xf32>
        %get3A_46 = arith.index_cast %scan3A_41 : i32 to index
        %get3A_47 = arith.constant 0 : index
        %get3A_48 = tpu.vector_load %arg12[%get3A_46, %get3A_47] {strides = array<i32>} : memref<80x16xf32, #tpu.memory_space<vmem>>, vector<1x16xf32>,
        %get3A_49 = vector.shape_cast %get3A_48 : vector<1x16xf32> to vector<16xf32>
        %add3A_50 = arith.addf %get3A_45, %get3A_49 : vector<16xf32>
        %ge3A = arith.constant 0.000000e+00 : f32
        %ge3A_51 = vector.broadcast %ge3A : f32 to vector<16xf32>
        %ge3A_52 = arith.cmpf oge, %add3A_50, %ge3A_51 : vector<16xf32>
        %mul3A_53 = arith.constant 2.000000e-01 : f32
        %mul3A_54 = vector.broadcast %mul3A_53 : f32 to vector<16xf32>
        %mul3A_55 = arith.mulf %mul3A_54, %add3A_50 : vector<16xf32>
        %select_n3A = arith.select %ge3A_52, %add3A_50, %mul3A_55 : vector<16xi1>, vector<16xf32>
        %exp3A = math.exp %select_n3A : vector<16xf32>
        %swap3A = arith.index_cast %scan3A_41 : i32 to index
        %swap3A_56 = arith.constant 128 : index
        %swap3A_57 = tpu.vector_load %arg14[%swap3A, %swap3A_56] {strides = array<i32>} : memref<80x144xf32, #tpu.memory_space<vmem>>, vector<1x16xf32>,
        %swap3A_58 = vector.shape_cast %swap3A_57 : vector<1x16xf32> to vector<16xf32>
        %swap3A_59 = vector.shape_cast %exp3A : vector<16xf32> to vector<1x16xf32>
        tpu.vector_store %arg14[%swap3A, %swap3A_56], %swap3A_59 {strides = array<i32>} : memref<80x144xf32, #tpu.memory_space<vmem>>, vector<1x16xf32>,
        %get3A_60 = arith.index_cast %scan3A_41 : i32 to index
        %get3A_61 = arith.constant 0 : index
        %get3A_62 = tpu.vector_load %arg13[%get3A_60, %get3A_61] {strides = array<i32>} : memref<80x128xf32, #tpu.memory_space<vmem>>, vector<1x16xf32>,
        %get3A_63 = vector.shape_cast %get3A_62 : vector<1x16xf32> to vector<16xf32>
        %mul3A_64 = arith.mulf %get3A_63, %exp3A : vector<16xf32>
        %swap3A_65 = arith.index_cast %scan3A_41 : i32 to index
        %swap3A_66 = arith.constant 0 : index
        %swap3A_67 = tpu.vector_load %arg14[%swap3A_65, %swap3A_66] {strides = array<i32>} : memref<80x144xf32, #tpu.memory_space<vmem>>, vector<1x16xf32>,
        %swap3A_68 = vector.shape_cast %swap3A_67 : vector<1x16xf32> to vector<16xf32>
        %swap3A_69 = vector.shape_cast %mul3A_64 : vector<16xf32> to vector<1x16xf32>
        tpu.vector_store %arg14[%swap3A_65, %swap3A_66], %swap3A_69 {strides = array<i32>} : memref<80x144xf32, #tpu.memory_space<vmem>>, vector<1x16xf32>,
        %get3A_70 = arith.index_cast %scan3A_41 : i32 to index
        %get3A_71 = arith.constant 16 : index
        %get3A_72 = tpu.vector_load %arg13[%get3A_70, %get3A_71] {strides = array<i32>} : memref<80x128xf32, #tpu.memory_space<vmem>>, vector<1x16xf32>,
        %get3A_73 = vector.shape_cast %get3A_72 : vector<1x16xf32> to vector<16xf32>
        %mul3A_74 = arith.mulf %get3A_73, %exp3A : vector<16xf32>
        %swap3A_75 = arith.index_cast %scan3A_41 : i32 to index
        %swap3A_76 = arith.constant 16 : index
        %swap3A_77 = tpu.vector_load %arg14[%swap3A_75, %swap3A_76] {strides = array<i32>} : memref<80x144xf32, #tpu.memory_space<vmem>>, vector<1x16xf32>,
        %swap3A_78 = vector.shape_cast %swap3A_77 : vector<1x16xf32> to vector<16xf32>
        %swap3A_79 = vector.shape_cast %mul3A_74 : vector<16xf32> to vector<1x16xf32>
        tpu.vector_store %arg14[%swap3A_75, %swap3A_76], %swap3A_79 {strides = array<i32>} : memref<80x144xf32, #tpu.memory_space<vmem>>, vector<1x16xf32>,
        %get3A_80 = arith.index_cast %scan3A_41 : i32 to index
        %get3A_81 = arith.constant 32 : index
        %get3A_82 = tpu.vector_load %arg13[%get3A_80, %get3A_81] {strides = array<i32>} : memref<80x128xf32, #tpu.memory_space<vmem>>, vector<1x16xf32>,
        %get3A_83 = vector.shape_cast %get3A_82 : vector<1x16xf32> to vector<16xf32>
        %mul3A_84 = arith.mulf %get3A_83, %exp3A : vector<16xf32>
        %swap3A_85 = arith.index_cast %scan3A_41 : i32 to index
        %swap3A_86 = arith.constant 32 : index
        %swap3A_87 = tpu.vector_load %arg14[%swap3A_85, %swap3A_86] {strides = array<i32>} : memref<80x144xf32, #tpu.memory_space<vmem>>, vector<1x16xf32>,
        %swap3A_88 = vector.shape_cast %swap3A_87 : vector<1x16xf32> to vector<16xf32>
        %swap3A_89 = vector.shape_cast %mul3A_84 : vector<16xf32> to vector<1x16xf32>
        tpu.vector_store %arg14[%swap3A_85, %swap3A_86], %swap3A_89 {strides = array<i32>} : memref<80x144xf32, #tpu.memory_space<vmem>>, vector<1x16xf32>,
        %get3A_90 = arith.index_cast %scan3A_41 : i32 to index
        %get3A_91 = arith.constant 48 : index
        %get3A_92 = tpu.vector_load %arg13[%get3A_90, %get3A_91] {strides = array<i32>} : memref<80x128xf32, #tpu.memory_space<vmem>>, vector<1x16xf32>,
        %get3A_93 = vector.shape_cast %get3A_92 : vector<1x16xf32> to vector<16xf32>
        %mul3A_94 = arith.mulf %get3A_93, %exp3A : vector<16xf32>
        %swap3A_95 = arith.index_cast %scan3A_41 : i32 to index
        %swap3A_96 = arith.constant 48 : index
        %swap3A_97 = tpu.vector_load %arg14[%swap3A_95, %swap3A_96] {strides = array<i32>} : memref<80x144xf32, #tpu.memory_space<vmem>>, vector<1x16xf32>,
        %swap3A_98 = vector.shape_cast %swap3A_97 : vector<1x16xf32> to vector<16xf32>
        %swap3A_99 = vector.shape_cast %mul3A_94 : vector<16xf32> to vector<1x16xf32>
        tpu.vector_store %arg14[%swap3A_95, %swap3A_96], %swap3A_99 {strides = array<i32>} : memref<80x144xf32, #tpu.memory_space<vmem>>, vector<1x16xf32>,
        %get3A_100 = arith.index_cast %scan3A_41 : i32 to index
        %get3A_101 = arith.constant 64 : index
        %get3A_102 = tpu.vector_load %arg13[%get3A_100, %get3A_101] {strides = array<i32>} : memref<80x128xf32, #tpu.memory_space<vmem>>, vector<1x16xf32>,
        %get3A_103 = vector.shape_cast %get3A_102 : vector<1x16xf32> to vector<16xf32>
        %mul3A_104 = arith.mulf %get3A_103, %exp3A : vector<16xf32>
        %swap3A_105 = arith.index_cast %scan3A_41 : i32 to index
        %swap3A_106 = arith.constant 64 : index
        %swap3A_107 = tpu.vector_load %arg14[%swap3A_105, %swap3A_106] {strides = array<i32>} : memref<80x144xf32, #tpu.memory_space<vmem>>, vector<1x16xf32>,
        %swap3A_108 = vector.shape_cast %swap3A_107 : vector<1x16xf32> to vector<16xf32>
        %swap3A_109 = vector.shape_cast %mul3A_104 : vector<16xf32> to vector<1x16xf32>
        tpu.vector_store %arg14[%swap3A_105, %swap3A_106], %swap3A_109 {strides = array<i32>} : memref<80x144xf32, #tpu.memory_space<vmem>>, vector<1x16xf32>,
        %get3A_110 = arith.index_cast %scan3A_41 : i32 to index
        %get3A_111 = arith.constant 80 : index
        %get3A_112 = tpu.vector_load %arg13[%get3A_110, %get3A_111] {strides = array<i32>} : memref<80x128xf32, #tpu.memory_space<vmem>>, vector<1x16xf32>,
        %get3A_113 = vector.shape_cast %get3A_112 : vector<1x16xf32> to vector<16xf32>
        %mul3A_114 = arith.mulf %get3A_113, %exp3A : vector<16xf32>
        %swap3A_115 = arith.index_cast %scan3A_41 : i32 to index
        %swap3A_116 = arith.constant 80 : index
        %swap3A_117 = tpu.vector_load %arg14[%swap3A_115, %swap3A_116] {strides = array<i32>} : memref<80x144xf32, #tpu.memory_space<vmem>>, vector<1x16xf32>,
        %swap3A_118 = vector.shape_cast %swap3A_117 : vector<1x16xf32> to vector<16xf32>
        %swap3A_119 = vector.shape_cast %mul3A_114 : vector<16xf32> to vector<1x16xf32>
        tpu.vector_store %arg14[%swap3A_115, %swap3A_116], %swap3A_119 {strides = array<i32>} : memref<80x144xf32, #tpu.memory_space<vmem>>, vector<1x16xf32>,
        %get3A_120 = arith.index_cast %scan3A_41 : i32 to index
        %get3A_121 = arith.constant 96 : index
        %get3A_122 = tpu.vector_load %arg13[%get3A_120, %get3A_121] {strides = array<i32>} : memref<80x128xf32, #tpu.memory_space<vmem>>, vector<1x16xf32>,
        %get3A_123 = vector.shape_cast %get3A_122 : vector<1x16xf32> to vector<16xf32>
        %mul3A_124 = arith.mulf %get3A_123, %exp3A : vector<16xf32>
        %swap3A_125 = arith.index_cast %scan3A_41 : i32 to index
        %swap3A_126 = arith.constant 96 : index
        %swap3A_127 = tpu.vector_load %arg14[%swap3A_125, %swap3A_126] {strides = array<i32>} : memref<80x144xf32, #tpu.memory_space<vmem>>, vector<1x16xf32>,
        %swap3A_128 = vector.shape_cast %swap3A_127 : vector<1x16xf32> to vector<16xf32>
        %swap3A_129 = vector.shape_cast %mul3A_124 : vector<16xf32> to vector<1x16xf32>
        tpu.vector_store %arg14[%swap3A_125, %swap3A_126], %swap3A_129 {strides = array<i32>} : memref<80x144xf32, #tpu.memory_space<vmem>>, vector<1x16xf32>,
        %get3A_130 = arith.index_cast %scan3A_41 : i32 to index
        %get3A_131 = arith.constant 112 : index
        %get3A_132 = tpu.vector_load %arg13[%get3A_130, %get3A_131] {strides = array<i32>} : memref<80x128xf32, #tpu.memory_space<vmem>>, vector<1x16xf32>,
        %get3A_133 = vector.shape_cast %get3A_132 : vector<1x16xf32> to vector<16xf32>
        %mul3A_134 = arith.mulf %get3A_133, %exp3A : vector<16xf32>
        %swap3A_135 = arith.index_cast %scan3A_41 : i32 to index
        %swap3A_136 = arith.constant 112 : index
        %swap3A_137 = tpu.vector_load %arg14[%swap3A_135, %swap3A_136] {strides = array<i32>} : memref<80x144xf32, #tpu.memory_space<vmem>>, vector<1x16xf32>,
        %swap3A_138 = vector.shape_cast %swap3A_137 : vector<1x16xf32> to vector<16xf32>
        %swap3A_139 = vector.shape_cast %mul3A_134 : vector<16xf32> to vector<1x16xf32>
        tpu.vector_store %arg14[%swap3A_135, %swap3A_136], %swap3A_139 {strides = array<i32>} : memref<80x144xf32, #tpu.memory_space<vmem>>, vector<1x16xf32>,
        %scan3A_140 = arith.constant 0 : i32
        scf.yield %scan3A_140 : i32
      }
      %scan3A_39 = arith.constant 80 : i32
      "tpu.region"() ({
        %run_scoped3A = tpu.sem_alloc : memref<!tpu.dma_semaphore, #tpu.memory_space<semaphore_mem>>
        %dma_start3A_41 = arith.constant 0 : i32
        %dma_start3A_42 = arith.constant 0 : i32
        %dma_start3A_43 = tpu.memref_slice %arg15[%dma_start3A_41, %dma_start3A_42] : memref<10240x144xf32, #tpu.memory_space<vmem_shared>> -> memref<10240x144xf32, #tpu.memory_space<vmem_shared>>
        tpu.enqueue_indirect_dma source(%arg14 : memref<80x144xf32, #tpu.memory_space<vmem>>) target(%dma_start3A_43 : memref<10240x144xf32, #tpu.memory_space<vmem_shared>>) offsets(%arg10 : memref<80xi32, #tpu.memory_space<vmem>>) semaphore(%run_scoped3A : memref<!tpu.dma_semaphore, #tpu.memory_space<semaphore_mem>>) {add = true}
        %dma_wait3A_44 = arith.constant 0 : i32
        %dma_wait3A_45 = arith.constant 0 : i32
        %dma_wait3A_46 = tpu.memref_slice %arg15[%dma_wait3A_44, %dma_wait3A_45] : memref<10240x144xf32, #tpu.memory_space<vmem_shared>> -> memref<10240x144xf32, #tpu.memory_space<vmem_shared>>
        tpu.wait_indirect_dma semaphore(%run_scoped3A : memref<!tpu.dma_semaphore, #tpu.memory_space<semaphore_mem>>) src(%arg14 : memref<80x144xf32, #tpu.memory_space<vmem>>) dst(%dma_wait3A_46 : memref<10240x144xf32, #tpu.memory_space<vmem_shared>>)
        tpu.yield
      }) : () -> ()
      %scan3A_40 = arith.constant 0 : i32
      scf.yield %scan3A_40 : i32
    }
    %scan3A_10 = arith.constant 125 : i32
    %barrier3A_11 = arith.constant 0 : index
    tpu.barrier barrier_id(%barrier3A_11)
    "tpu.region"() ({
      %run_scoped3A = tpu.sem_alloc : memref<!tpu.dma_semaphore, #tpu.memory_space<semaphore_mem>>
      %dma_start3A = arith.constant 0 : i32
      %dma_start3A_12 = tpu.memref_slice %arg8[%arg0, %mul3A_0, %dma_start3A] : memref<2x10240x144xf32, #tpu.memory_space<hbm>> -> memref<1x640x144xf32, #tpu.memory_space<hbm>>
      %dma_start3A_13 = tpu.memref_squeeze %dma_start3A_12 : memref<1x640x144xf32, #tpu.memory_space<hbm>> -> memref<640x144xf32, #tpu.memory_space<hbm>>
      %dma_start3A_14 = arith.constant 0 : i32
      %dma_start3A_15 = tpu.memref_slice %arg15[%mul3A_0, %dma_start3A_14] : memref<10240x144xf32, #tpu.memory_space<vmem_shared>> -> memref<640x144xf32, #tpu.memory_space<vmem_shared>>
      tpu.enqueue_dma source(%dma_start3A_15 : memref<640x144xf32, #tpu.memory_space<vmem_shared>>) target(%dma_start3A_13 : memref<640x144xf32, #tpu.memory_space<hbm>>) target_semaphore(%run_scoped3A : memref<!tpu.dma_semaphore, #tpu.memory_space<semaphore_mem>>)
      %dma_wait3A = arith.constant 0 : i32
      %dma_wait3A_16 = tpu.memref_slice %arg8[%arg0, %mul3A_0, %dma_wait3A] : memref<2x10240x144xf32, #tpu.memory_space<hbm>> -> memref<1x640x144xf32, #tpu.memory_space<hbm>>
      %dma_wait3A_17 = tpu.memref_squeeze %dma_wait3A_16 : memref<1x640x144xf32, #tpu.memory_space<hbm>> -> memref<640x144xf32, #tpu.memory_space<hbm>>
      %dma_wait3A_18 = arith.constant 0 : i32
      %dma_wait3A_19 = tpu.memref_slice %arg15[%mul3A_0, %dma_wait3A_18] : memref<10240x144xf32, #tpu.memory_space<vmem_shared>> -> memref<640x144xf32, #tpu.memory_space<vmem_shared>>
      tpu.wait_dma2 semaphore(%run_scoped3A : memref<!tpu.dma_semaphore, #tpu.memory_space<semaphore_mem>>) src(%dma_wait3A_19 : memref<640x144xf32, #tpu.memory_space<vmem_shared>>) dst(%dma_wait3A_17 : memref<640x144xf32, #tpu.memory_space<hbm>>)
      tpu.yield
    }) : () -> ()
    return
  }
}

module attributes {stable_mosaic.version = 14 : i64} {
  func.func @_pre_body(%arg0: i32, %arg1: memref<1000x128xf32, #tpu.memory_space<vmem>>, %arg2: memref<128x128xf32, #tpu.memory_space<vmem>>, %arg3: memref<1x128xf32, #tpu.memory_space<vmem>>, %arg4: memref<128x16xf32, #tpu.memory_space<vmem>>, %arg5: memref<1x16xf32, #tpu.memory_space<vmem>>, %arg6: memref<128x16xf32, #tpu.memory_space<vmem>>, %arg7: memref<1000x128xf32, #tpu.memory_space<vmem>>, %arg8: memref<1000x16xf32, #tpu.memory_space<vmem>>, %arg9: memref<1000x16xf32, #tpu.memory_space<vmem>>) attributes {dimension_semantics = [#tpu.dimension_semantics<arbitrary>], iteration_bounds = array<i64: 10>, scalar_prefetch = 0 : i64, scratch_operands = 0 : i64, tpu.core_type = #tpu.core_type<tc>, window_params = [{transform_indices = @transform_0, window_bounds = array<i64: 1000, 128>}, {pipeline_mode = #tpu.pipeline_mode<synchronous>, transform_indices = @transform_1, window_bounds = array<i64: 128, 128>}, {pipeline_mode = #tpu.pipeline_mode<synchronous>, transform_indices = @transform_2, window_bounds = array<i64: 1, 128>}, {pipeline_mode = #tpu.pipeline_mode<synchronous>, transform_indices = @transform_3, window_bounds = array<i64: 128, 16>}, {pipeline_mode = #tpu.pipeline_mode<synchronous>, transform_indices = @transform_4, window_bounds = array<i64: 1, 16>}, {pipeline_mode = #tpu.pipeline_mode<synchronous>, transform_indices = @transform_5, window_bounds = array<i64: 128, 16>}, {transform_indices = @transform_6, window_bounds = array<i64: 1000, 128>}, {transform_indices = @transform_7, window_bounds = array<i64: 1000, 16>}, {transform_indices = @transform_8, window_bounds = array<i64: 1000, 16>}]} {
    %get3A = arith.constant 0 : index
    %get3A_0 = arith.constant 0 : index
    %get3A_1 = vector.load %arg1[%get3A, %get3A_0] : memref<1000x128xf32, #tpu.memory_space<vmem>>, vector<1000x128xf32>
    %get3A_2 = arith.constant 0 : index
    %get3A_3 = arith.constant 0 : index
    %get3A_4 = vector.load %arg2[%get3A_2, %get3A_3] : memref<128x128xf32, #tpu.memory_space<vmem>>, vector<128x128xf32>
    %dot_general3A = arith.constant dense<0.000000e+00> : vector<1000x128xf32>
    %dot_general3A_5 = tpu.matmul %get3A_1, %get3A_4, %dot_general3A {dimension_numbers = #tpu.dot_dimension_numbers<[1], [0], [0], [1], [0, 0, 1, 1], [], []>, transpose_lhs_hint = false} : vector<1000x128xf32>, vector<128x128xf32>, vector<1000x128xf32> -> vector<1000x128xf32>
    %get3A_6 = arith.constant 0 : index
    %get3A_7 = arith.constant 0 : index
    %get3A_8 = vector.load %arg3[%get3A_6, %get3A_7] : memref<1x128xf32, #tpu.memory_space<vmem>>, vector<1x128xf32>
    %add3A = vector.broadcast %get3A_8 : vector<1x128xf32> to vector<1000x128xf32>
    %add3A_9 = arith.addf %dot_general3A_5, %add3A : vector<1000x128xf32>
    %swap3A = arith.constant 0 : index
    %swap3A_10 = arith.constant 0 : index
    %swap3A_11 = vector.load %arg7[%swap3A, %swap3A_10] : memref<1000x128xf32, #tpu.memory_space<vmem>>, vector<1000x128xf32>
    tpu.vector_store %arg7[%swap3A, %swap3A_10], %add3A_9 {strides = array<i32>} : memref<1000x128xf32, #tpu.memory_space<vmem>>, vector<1000x128xf32>,
    %get3A_12 = arith.constant 0 : index
    %get3A_13 = arith.constant 0 : index
    %get3A_14 = vector.load %arg4[%get3A_12, %get3A_13] : memref<128x16xf32, #tpu.memory_space<vmem>>, vector<128x16xf32>
    %dot_general3A_15 = arith.constant dense<0.000000e+00> : vector<1000x16xf32>
    %dot_general3A_16 = tpu.matmul %add3A_9, %get3A_14, %dot_general3A_15 {dimension_numbers = #tpu.dot_dimension_numbers<[1], [0], [0], [1], [0, 0, 1, 1], [], []>, transpose_lhs_hint = false} : vector<1000x128xf32>, vector<128x16xf32>, vector<1000x16xf32> -> vector<1000x16xf32>
    %get3A_17 = arith.constant 0 : index
    %get3A_18 = arith.constant 0 : index
    %get3A_19 = vector.load %arg5[%get3A_17, %get3A_18] : memref<1x16xf32, #tpu.memory_space<vmem>>, vector<1x16xf32>
    %add3A_20 = vector.broadcast %get3A_19 : vector<1x16xf32> to vector<1000x16xf32>
    %add3A_21 = arith.addf %dot_general3A_16, %add3A_20 : vector<1000x16xf32>
    %swap3A_22 = arith.constant 0 : index
    %swap3A_23 = arith.constant 0 : index
    %swap3A_24 = vector.load %arg8[%swap3A_22, %swap3A_23] : memref<1000x16xf32, #tpu.memory_space<vmem>>, vector<1000x16xf32>
    tpu.vector_store %arg8[%swap3A_22, %swap3A_23], %add3A_21 {strides = array<i32>} : memref<1000x16xf32, #tpu.memory_space<vmem>>, vector<1000x16xf32>,
    %get3A_25 = arith.constant 0 : index
    %get3A_26 = arith.constant 0 : index
    %get3A_27 = vector.load %arg6[%get3A_25, %get3A_26] : memref<128x16xf32, #tpu.memory_space<vmem>>, vector<128x16xf32>
    %dot_general3A_28 = arith.constant dense<0.000000e+00> : vector<1000x16xf32>
    %dot_general3A_29 = tpu.matmul %add3A_9, %get3A_27, %dot_general3A_28 {dimension_numbers = #tpu.dot_dimension_numbers<[1], [0], [0], [1], [0, 0, 1, 1], [], []>, transpose_lhs_hint = false} : vector<1000x128xf32>, vector<128x16xf32>, vector<1000x16xf32> -> vector<1000x16xf32>
    %swap3A_30 = arith.constant 0 : index
    %swap3A_31 = arith.constant 0 : index
    %swap3A_32 = vector.load %arg9[%swap3A_30, %swap3A_31] : memref<1000x16xf32, #tpu.memory_space<vmem>>, vector<1000x16xf32>
    tpu.vector_store %arg9[%swap3A_30, %swap3A_31], %dot_general3A_29 {strides = array<i32>} : memref<1000x16xf32, #tpu.memory_space<vmem>>, vector<1000x16xf32>,
    return
  }
  func.func @transform_0(%arg0: i32) -> (i32, i32) {
    %c0_i32 = arith.constant 0 : i32
    %c0_i32_0 = arith.constant 0 : i32
    return %arg0, %c0_i32 : i32, i32
  }
  func.func @transform_1(%arg0: i32) -> (i32, i32) {
    %c0_i32 = arith.constant 0 : i32
    %c0_i32_0 = arith.constant 0 : i32
    %c0_i32_1 = arith.constant 0 : i32
    return %c0_i32, %c0_i32_0 : i32, i32
  }
  func.func @transform_2(%arg0: i32) -> (i32, i32) {
    %c0_i32 = arith.constant 0 : i32
    %c0_i32_0 = arith.constant 0 : i32
    %c0_i32_1 = arith.constant 0 : i32
    return %c0_i32, %c0_i32_0 : i32, i32
  }
  func.func @transform_3(%arg0: i32) -> (i32, i32) {
    %c0_i32 = arith.constant 0 : i32
    %c0_i32_0 = arith.constant 0 : i32
    %c0_i32_1 = arith.constant 0 : i32
    return %c0_i32, %c0_i32_0 : i32, i32
  }
  func.func @transform_4(%arg0: i32) -> (i32, i32) {
    %c0_i32 = arith.constant 0 : i32
    %c0_i32_0 = arith.constant 0 : i32
    %c0_i32_1 = arith.constant 0 : i32
    return %c0_i32, %c0_i32_0 : i32, i32
  }
  func.func @transform_5(%arg0: i32) -> (i32, i32) {
    %c0_i32 = arith.constant 0 : i32
    %c0_i32_0 = arith.constant 0 : i32
    %c0_i32_1 = arith.constant 0 : i32
    return %c0_i32, %c0_i32_0 : i32, i32
  }
  func.func @transform_6(%arg0: i32) -> (i32, i32) {
    %c0_i32 = arith.constant 0 : i32
    %c0_i32_0 = arith.constant 0 : i32
    return %arg0, %c0_i32 : i32, i32
  }
  func.func @transform_7(%arg0: i32) -> (i32, i32) {
    %c0_i32 = arith.constant 0 : i32
    %c0_i32_0 = arith.constant 0 : i32
    return %arg0, %c0_i32 : i32, i32
  }
  func.func @transform_8(%arg0: i32) -> (i32, i32) {
    %c0_i32 = arith.constant 0 : i32
    %c0_i32_0 = arith.constant 0 : i32
    return %arg0, %c0_i32 : i32, i32
  }
}

module attributes {stable_mosaic.version = 14 : i64} {
  func.func @_post_body(%arg0: i32, %arg1: memref<1000x144xf32, #tpu.memory_space<vmem>>, %arg2: memref<1000x144xf32, #tpu.memory_space<vmem>>, %arg3: memref<16x128xf32, #tpu.memory_space<vmem>>, %arg4: memref<128x256xf32, #tpu.memory_space<vmem>>, %arg5: memref<1x256xf32, #tpu.memory_space<vmem>>, %arg6: memref<256x128xf32, #tpu.memory_space<vmem>>, %arg7: memref<1x128xf32, #tpu.memory_space<vmem>>, %arg8: memref<1000x128xf32, #tpu.memory_space<vmem>>) attributes {dimension_semantics = [#tpu.dimension_semantics<arbitrary>], iteration_bounds = array<i64: 10>, scalar_prefetch = 0 : i64, scratch_operands = 0 : i64, tpu.core_type = #tpu.core_type<tc>, window_params = [{transform_indices = @transform_0, window_bounds = array<i64: 1000, 144>}, {transform_indices = @transform_1, window_bounds = array<i64: 1000, 144>}, {pipeline_mode = #tpu.pipeline_mode<synchronous>, transform_indices = @transform_2, window_bounds = array<i64: 16, 128>}, {pipeline_mode = #tpu.pipeline_mode<synchronous>, transform_indices = @transform_3, window_bounds = array<i64: 128, 256>}, {pipeline_mode = #tpu.pipeline_mode<synchronous>, transform_indices = @transform_4, window_bounds = array<i64: 1, 256>}, {pipeline_mode = #tpu.pipeline_mode<synchronous>, transform_indices = @transform_5, window_bounds = array<i64: 256, 128>}, {pipeline_mode = #tpu.pipeline_mode<synchronous>, transform_indices = @transform_6, window_bounds = array<i64: 1, 128>}, {transform_indices = @transform_7, window_bounds = array<i64: 1000, 128>}]} {
    %get3A = arith.constant 0 : index
    %get3A_0 = arith.constant 0 : index
    %get3A_1 = vector.load %arg1[%get3A, %get3A_0] : memref<1000x144xf32, #tpu.memory_space<vmem>>, vector<1000x144xf32>
    %get3A_2 = arith.constant 0 : index
    %get3A_3 = arith.constant 0 : index
    %get3A_4 = vector.load %arg2[%get3A_2, %get3A_3] : memref<1000x144xf32, #tpu.memory_space<vmem>>, vector<1000x144xf32>
    %add3A = arith.addf %get3A_1, %get3A_4 : vector<1000x144xf32>
    %slice3A = vector.extract_strided_slice %add3A {offsets = [0, 128], sizes = [1000, 16], strides = [1, 1]} : vector<1000x144xf32> to vector<1000x16xf32>
    %get3A_5 = arith.constant 0 : index
    %get3A_6 = arith.constant 0 : index
    %get3A_7 = vector.load %arg3[%get3A_5, %get3A_6] : memref<16x128xf32, #tpu.memory_space<vmem>>, vector<16x128xf32>
    %dot_general3A = arith.constant dense<0.000000e+00> : vector<1000x128xf32>
    %dot_general3A_8 = tpu.matmul %slice3A, %get3A_7, %dot_general3A {dimension_numbers = #tpu.dot_dimension_numbers<[1], [0], [0], [1], [0, 0, 1, 1], [], []>, transpose_lhs_hint = false} : vector<1000x16xf32>, vector<16x128xf32>, vector<1000x128xf32> -> vector<1000x128xf32>
    %le3A = arith.constant 0.000000e+00 : f32
    %le3A_9 = vector.broadcast %le3A : f32 to vector<1000x128xf32>
    %le3A_10 = arith.cmpf ole, %dot_general3A_8, %le3A_9 : vector<1000x128xf32>
    %jit3A = arith.constant 1.000000e+00 : f32
    %broadcast_in_dim3A = vector.broadcast %jit3A : f32 to vector<1000x128xf32>
    %select_n3A = arith.select %le3A_10, %broadcast_in_dim3A, %dot_general3A_8 : vector<1000x128xi1>, vector<1000x128xf32>
    %slice3A_11 = vector.extract_strided_slice %add3A {offsets = [0, 0], sizes = [1000, 128], strides = [1, 1]} : vector<1000x144xf32> to vector<1000x128xf32>
    %div3A = arith.divf %slice3A_11, %select_n3A : vector<1000x128xf32>
    %get3A_12 = arith.constant 0 : index
    %get3A_13 = arith.constant 0 : index
    %get3A_14 = vector.load %arg4[%get3A_12, %get3A_13] : memref<128x256xf32, #tpu.memory_space<vmem>>, vector<128x256xf32>
    %dot_general3A_15 = arith.constant dense<0.000000e+00> : vector<1000x256xf32>
    %dot_general3A_16 = tpu.matmul %div3A, %get3A_14, %dot_general3A_15 {dimension_numbers = #tpu.dot_dimension_numbers<[1], [0], [0], [1], [0, 0, 1, 1], [], []>, transpose_lhs_hint = false} : vector<1000x128xf32>, vector<128x256xf32>, vector<1000x256xf32> -> vector<1000x256xf32>
    %get3A_17 = arith.constant 0 : index
    %get3A_18 = arith.constant 0 : index
    %get3A_19 = vector.load %arg5[%get3A_17, %get3A_18] : memref<1x256xf32, #tpu.memory_space<vmem>>, vector<1x256xf32>
    %add3A_20 = vector.broadcast %get3A_19 : vector<1x256xf32> to vector<1000x256xf32>
    %add3A_21 = arith.addf %dot_general3A_16, %add3A_20 : vector<1000x256xf32>
    %mul3A = arith.constant 5.000000e-01 : f32
    %mul3A_22 = vector.broadcast %mul3A : f32 to vector<1000x256xf32>
    %mul3A_23 = arith.mulf %mul3A_22, %add3A_21 : vector<1000x256xf32>
    %mul3A_24 = arith.constant 0.707106769 : f32
    %mul3A_25 = vector.broadcast %mul3A_24 : f32 to vector<1000x256xf32>
    %mul3A_26 = arith.mulf %add3A_21, %mul3A_25 : vector<1000x256xf32>
    %erf3A = math.erf %mul3A_26 : vector<1000x256xf32>
    %add3A_27 = arith.constant 1.000000e+00 : f32
    %add3A_28 = vector.broadcast %add3A_27 : f32 to vector<1000x256xf32>
    %add3A_29 = arith.addf %add3A_28, %erf3A : vector<1000x256xf32>
    %mul3A_30 = arith.mulf %mul3A_23, %add3A_29 : vector<1000x256xf32>
    %get3A_31 = arith.constant 0 : index
    %get3A_32 = arith.constant 0 : index
    %get3A_33 = vector.load %arg6[%get3A_31, %get3A_32] : memref<256x128xf32, #tpu.memory_space<vmem>>, vector<256x128xf32>
    %dot_general3A_34 = arith.constant dense<0.000000e+00> : vector<1000x128xf32>
    %dot_general3A_35 = tpu.matmul %mul3A_30, %get3A_33, %dot_general3A_34 {dimension_numbers = #tpu.dot_dimension_numbers<[1], [0], [0], [1], [0, 0, 1, 1], [], []>, transpose_lhs_hint = false} : vector<1000x256xf32>, vector<256x128xf32>, vector<1000x128xf32> -> vector<1000x128xf32>
    %get3A_36 = arith.constant 0 : index
    %get3A_37 = arith.constant 0 : index
    %get3A_38 = vector.load %arg7[%get3A_36, %get3A_37] : memref<1x128xf32, #tpu.memory_space<vmem>>, vector<1x128xf32>
    %add3A_39 = vector.broadcast %get3A_38 : vector<1x128xf32> to vector<1000x128xf32>
    %add3A_40 = arith.addf %dot_general3A_35, %add3A_39 : vector<1000x128xf32>
    %swap3A = arith.constant 0 : index
    %swap3A_41 = arith.constant 0 : index
    %swap3A_42 = vector.load %arg8[%swap3A, %swap3A_41] : memref<1000x128xf32, #tpu.memory_space<vmem>>, vector<1000x128xf32>
    tpu.vector_store %arg8[%swap3A, %swap3A_41], %add3A_40 {strides = array<i32>} : memref<1000x128xf32, #tpu.memory_space<vmem>>, vector<1000x128xf32>,
    return
  }
  func.func @transform_0(%arg0: i32) -> (i32, i32) {
    %c0_i32 = arith.constant 0 : i32
    %c0_i32_0 = arith.constant 0 : i32
    return %arg0, %c0_i32 : i32, i32
  }
  func.func @transform_1(%arg0: i32) -> (i32, i32) {
    %c0_i32 = arith.constant 0 : i32
    %c0_i32_0 = arith.constant 0 : i32
    return %arg0, %c0_i32 : i32, i32
  }
  func.func @transform_2(%arg0: i32) -> (i32, i32) {
    %c0_i32 = arith.constant 0 : i32
    %c0_i32_0 = arith.constant 0 : i32
    %c0_i32_1 = arith.constant 0 : i32
    return %c0_i32, %c0_i32_0 : i32, i32
  }
  func.func @transform_3(%arg0: i32) -> (i32, i32) {
    %c0_i32 = arith.constant 0 : i32
    %c0_i32_0 = arith.constant 0 : i32
    %c0_i32_1 = arith.constant 0 : i32
    return %c0_i32, %c0_i32_0 : i32, i32
  }
  func.func @transform_4(%arg0: i32) -> (i32, i32) {
    %c0_i32 = arith.constant 0 : i32
    %c0_i32_0 = arith.constant 0 : i32
    %c0_i32_1 = arith.constant 0 : i32
    return %c0_i32, %c0_i32_0 : i32, i32
  }
  func.func @transform_5(%arg0: i32) -> (i32, i32) {
    %c0_i32 = arith.constant 0 : i32
    %c0_i32_0 = arith.constant 0 : i32
    %c0_i32_1 = arith.constant 0 : i32
    return %c0_i32, %c0_i32_0 : i32, i32
  }
  func.func @transform_6(%arg0: i32) -> (i32, i32) {
    %c0_i32 = arith.constant 0 : i32
    %c0_i32_0 = arith.constant 0 : i32
    %c0_i32_1 = arith.constant 0 : i32
    return %c0_i32, %c0_i32_0 : i32, i32
  }
  func.func @transform_7(%arg0: i32) -> (i32, i32) {
    %c0_i32 = arith.constant 0 : i32
    %c0_i32_0 = arith.constant 0 : i32
    return %arg0, %c0_i32 : i32, i32
  }
}

</mosaic_0001>

<sc_bundles>
// kernel: kernel.5.cloned.1.call-start
scs
__scs_entry_jumppad:
0x0: {  	(pc) =	sbr.rel $0x88, $3  }
0x1: {  	(tag) =	ssettag $0x0;
	lr =	simm.s32 $0x1  }
0x2: {  	[smem:$0x3F96] =	sst lr;
	_ =	strace $0xD0000000  }
0x3: {  	_ = 	snop  }
0x4: {  	_ = 	snop  }
0x5: {  	_ = 	snop  }
0x6: {  	_ = 	snop  }
0x7: {  	_ = 	snop  }
__scs_overlays_trampoline_lowered:
0x8: {  	[smem:$0x3FA5] =	sst s0  }
0x9: {  	[smem:$0x3FA6] =	sst s1  }
0xa: {  	[smem:$0x3FA7] =	sst s2  }
0xb: {  	[smem:$0x3FA8] =	sst s3  }
0xc: {  	[smem:$0x3FA9] =	sst s4  }
0xd: {  	[smem:$0x3FAA] =	sst s5  }
0xe: {  	[smem:$0x3FAB] =	sst s6  }
0xf: {  	[smem:$0x3FAC] =	sst s7  }
0x10: {  	[smem:$0x3FAD] =	sst s8  }
0x11: {  	[smem:$0x3FAE] =	sst s9;
	s0 =	simm.s32 @!p0 $0x0  }
0x12: {  	s1 =	sld [smem:$0x3F94];
	s0 =	simm.s32 @p0 $0x1  }
0x13: {  	[smem:$0x3FAF] =	sst s0;
	s0 =	simm.s32 @!p1 $0x0  }
0x14: {  	s2 =	sld [smem:$0x3F93];
	s0 =	simm.s32 @p1 $0x1  }
0x15: {  	[smem:$0x3FB0] =	sst s0;
	s0 =	simm.s32 @!p2 $0x0  }
0x16: {  	s3 =	sld [smem:$0x3FDB];
	s0 =	simm.s32 @p2 $0x1  }
0x17: {  	s4 =	simm.s32 $0x1BF5;
	[smem:$0x3FB2] =	sst s0  }
0x18: {  	s0 =	sld [smem:$0x3F95];
	_ =	swait.ge [sflag:s4], $0x0  }
0x19: {  	s7 =	sld [smem:$0x3F96]  }
0x1a: {  	s8 =	sadd.s32 $0xFFFFE003, lr  }
0x1b: {  	s9 =	sadd.s32 $0xFFFFFEF7, lr;
	s5 =	simm.s32 $0xFFFFFFFF;
	p2 =	slt.u32 s8, $0xFFFFF086  }
0x1c: {  	p1 =	slt.u32 s9, $0xF7A;
	s5 =	simm.s32 @!p2 $0x0  }
0x1d: {  	s5 =	simm.s32 @p1 $0x1;
	p0 =	seq.s32 s7, s2  }
0x1e: {  	s7 =	smul.u32 @!p0 $0xF7A, s2;
	p2 =	seq.s32 @!p0 s5, $0x0  }
0x1f: {  	s9 =	smul.u32 $0xF7A, s1;
	s8 =	simm.s32 @!p0 $0x1BF5;
	p2 =	por !p2, p0  }
0x20: {  	[sflag:s8] =	ssyncset.s32 @!p0 $0xFFFFF086;
	s6 =	sadd.s32 @!p0 s3, s7;
	s7 =	simm.s32 @!p0 $0x108  }
0x21: {  	s3 =	sadd.s32 s3, s9;
	s6 =	sadd.s32 @!p0 $0x88, s6;
	s7 =	simm.s32 @p2 $0x1082  }
0x22: {  	[simem:s7], [sflag:s8] =	dma.local @!p0 [hbm:s6], $0xF7A  }
0x23: {  	s9 =	sor.u32 $0xD0000000, s2;
	s6 =	simm.s32 $0x108;
	_ =	swait.ge @!p0 [sflag:s8], $0x0  }
0x24: {  	s3 =	sadd.s32 $0x88, s3;
	s6 =	simm.s32 @!p1 $0x1082;
	[sflag:s4] =	ssyncset.s32 $0xFFFFF086  }
0x25: {  	[simem:s6], [sflag:s4] =	dma.local [hbm:s3], $0xF7A  }
0x26: {  	[smem:$0x3F96] =	sst s1;
	(tag) =	ssettag s2;
	_ =	strace s9  }
0x27: {  	s1 =	sld [smem:$0x3FA6]  }
0x28: {  	s2 =	sld [smem:$0x3FA7]  }
0x29: {  	s4 =	sld [smem:$0x3FA9]  }
0x2a: {  	p0 =	seq.s32 s5, $0x0;
	s5 =	sld [smem:$0x3FAA]  }
0x2b: {  	s6 =	sld [smem:$0x3FAB]  }
0x2c: {  	s7 =	sld [smem:$0x3FAC]  }
0x2d: {  	s3 =	simm.s32 $0x108;
	s8 =	sld [smem:$0x3FAD]  }
0x2e: {  	s3 =	simm.s32 @!p0 $0x1082;
	s9 =	sld [smem:$0x3FAE]  }
0x2f: {  	lr =	sadd.s32 s0, s3;
	s0 =	sld [smem:$0x3FA5]  }
0x30: {  	s3 =	sld [smem:$0x3FA8]  }
0x31: {  	[smem:$0x3FB1] =	sst s10  }
0x32: {  	s10 =	sld [smem:$0x3FAF];
	_ =	sdelay $0x3  }
0x33: {  	p0 =	seq.s32 s10, $0x1;
	s10 =	sld [smem:$0x3FB1];
	_ =	sdelay $0x3  }
0x34: {  	[smem:$0x3FB1] =	sst s10  }
0x35: {  	s10 =	sld [smem:$0x3FB0];
	_ =	sdelay $0x3  }
0x36: {  	p1 =	seq.s32 s10, $0x1;
	s10 =	sld [smem:$0x3FB1];
	_ =	sdelay $0x3  }
0x37: {  	[smem:$0x3FB1] =	sst s10  }
0x38: {  	s10 =	sld [smem:$0x3FB2]  }
0x39: {  	_ = 	snop;
	(pc) =	sbr.ind lr, $3  }
0x3a: {  	_ = 	snop  }
0x3b: {  	_ = 	snop  }
0x3c: {  	p2 =	seq.s32 s10, $0x1;
	s10 =	sld [smem:$0x3FB1]  }
0x3d: {  	_ =	shalt  }
0x3e: {  	_ =	shalt  }
0x3f: {  	_ =	shalt  }
0x40: {  	_ =	shalt  }
0x41: {  	_ =	shalt  }
0x42: {  	_ =	shalt  }
0x43: {  	_ =	shalt  }
0x44: {  	_ =	shalt  }
0x45: {  	_ =	shalt  }
0x46: {  	_ =	shalt  }
0x47: {  	_ =	shalt  }
0x48: {  	_ =	shalt  }
0x49: {  	_ =	shalt  }
0x4a: {  	_ =	shalt  }
0x4b: {  	_ =	shalt  }
0x4c: {  	_ =	shalt  }
0x4d: {  	_ =	shalt  }
0x4e: {  	_ =	shalt  }
0x4f: {  	_ =	shalt  }
0x50: {  	_ =	shalt  }
0x51: {  	_ =	shalt  }
0x52: {  	_ =	shalt  }
0x53: {  	_ =	shalt  }
0x54: {  	_ =	shalt  }
0x55: {  	_ =	shalt  }
0x56: {  	_ =	shalt  }
0x57: {  	_ =	shalt  }
0x58: {  	_ =	shalt  }
0x59: {  	_ =	shalt  }
0x5a: {  	_ =	shalt  }
0x5b: {  	_ =	shalt  }
0x5c: {  	_ =	shalt  }
0x5d: {  	_ =	shalt  }
0x5e: {  	_ =	shalt  }
0x5f: {  	_ =	shalt  }
0x60: {  	_ =	shalt  }
0x61: {  	_ =	shalt  }
0x62: {  	_ =	shalt  }
0x63: {  	_ =	shalt  }
0x64: {  	_ =	shalt  }
0x65: {  	_ =	shalt  }
0x66: {  	_ =	shalt  }
0x67: {  	_ =	shalt  }
0x68: {  	_ =	shalt  }
0x69: {  	_ =	shalt  }
0x6a: {  	_ =	shalt  }
0x6b: {  	_ =	shalt  }
0x6c: {  	_ =	shalt  }
0x6d: {  	_ =	shalt  }
0x6e: {  	_ =	shalt  }
0x6f: {  	_ =	shalt  }
0x70: {  	_ =	shalt  }
0x71: {  	_ =	shalt  }
0x72: {  	_ =	shalt  }
0x73: {  	_ =	shalt  }
0x74: {  	_ =	shalt  }
0x75: {  	_ =	shalt  }
0x76: {  	_ =	shalt  }
0x77: {  	_ =	shalt  }
0x78: {  	_ =	shalt  }
0x79: {  	_ =	shalt  }
0x7a: {  	_ =	shalt  }
0x7b: {  	_ =	shalt  }
0x7c: {  	_ =	shalt  }
0x7d: {  	_ =	shalt  }
0x7e: {  	_ =	shalt  }
0x7f: {  	_ =	shalt  }
0x80: {  	_ =	shalt  }
0x81: {  	_ =	shalt  }
0x82: {  	_ =	shalt  }
0x83: {  	_ =	shalt  }
0x84: {  	_ =	shalt  }
0x85: {  	_ =	shalt  }
0x86: {  	_ =	shalt  }
0x87: {  	_ =	shalt  }
.Lfunc_end0:
.L_simem_size_0:
called_computation_lowered:
.L_overlay_start_0:
0x88: {  	s2 =	sld [smem:$0x3FD9]  }
0x89: {  	s3 =	sld [smem:$0x3FFE];
	_ =	sdelay $0x1  }
0x8a: {  	s1 =	srdreg.scid  }
0x8b: {  	s0 =	sand.u32 $0x1, s1  }
0x8c: {  	s17 =	sshll.u32 s0, $0xA;
	s2 =	sadd.s32 s3, s2  }
0x8d: {  	s2 =	sadd.s32 s2, s17  }
0x8e: {  	[smem:$0x3FBD] =	sst s2  }
0x8f: {  	_ = 	snop  }
0x90: {  	s2 =	sld [smem:$0x3FD0];
	(tm) =	ssettm $0x1  }
0x91: {  	s18 =	sld [smem:$0x3FFB];
	_ =	sdelay $0x3  }
0x92: {  	_ =	strace s18  }
0x93: {  	s3 =	sld [smem:$0x3FFC];
	_ =	sdelay $0x3  }
0x94: {  	_ =	strace s3  }
0x95: {  	s3 =	sld [smem:$0x3FFD];
	_ =	sdelay $0x3  }
0x96: {  	_ =	strace s3  }
0x97: {  	_ =	strace $0x8FFFFFFF  }
0x98: {  	s19 =	sld [smem:$0x3FDB];
	_ =	sdelay $0x1  }
0x99: {  	s4 =	simm.s32 $_scs_section_size  }
0x9a: {  	s5 =	simm.s32 $_size__tile_overlayer_lowered;
	s6 =	simm.s32 $_tile_overlayer_lowered  }
0x9b: {  	s22 =	simm.s32 $0x1BFF;
	s21 =	sshll.u32 s6, $0x1;
	s3 =	sadd.s32 s4, s19  }
0x9c: {  	s7 =	simm.s32 $0x0;
	s20 =	sshll.u32 s5, $0x1;
	s5 =	sadd.s32 s21, s3  }
0x9d: {  	[timem:s7], [sflag:s22] =	dma.local [hbm:s5], s20  }
0x9e: {  	_ =	swait.ge [sflag:s22], s20  }
0x9f: {  	s4 =	ssub.s32 $0x0, s20;
	[sflag:s22] =	ssyncset.done $0x0  }
0xa0: {  	[sflag:s22] =	ssyncadd.s32 s4;
	_ =	sdelay $0x1  }
0xa1: {  	s23 =	simm.s32 $0x1B8B  }
0xa2: {  	_ =	swait.ge [sflag:s23], $0x1  }
0xa3: {  	[sflag:s23] =	ssyncset.done $0x0  }
0xa4: {  	s25 =	simm.s32 $0x1B8E;
	s24 =	sld [smem:$0x3FFE];
	[sflag:s23] =	ssyncadd.s32 $0xFFFFFFFF  }
0xa5: {  	s26 =	simm.s32 $execute0_lowered;
	[smem:$0x3FD2] =	sst s25  }
0xa6: {  	s5 =	sshll.u32 s26, $0x1;
	_ =	strace $0x80000046;
	[dreg:$0x1] =	wrdreg $0xFFFFFFFF  }
0xa7: {  	s28 =	simm.s32 $_size_execute0_lowered;
	s3 =	sadd.s32 s3, s5;
	[dreg:$0x0] =	wrdreg $0x0  }
0xa8: {  	s5 =	sshll.u32 s28, $0x1;
	[dreg:$0x2] =	wrdreg s3  }
0xa9: {  	[dreg:$0x3] =	wrdreg s5  }
0xaa: {  	[dreg:$0x4] =	wrdreg $0xC0  }
0xab: {  	_ =	task [dreg:s7], $0x5FFFF  }
0xac: {  	[dreg:$0x1] =	wrdreg $0xFFFFFFFF  }
0xad: {  	[dreg:$0x0] =	wrdreg $0x60  }
0xae: {  	[dreg:$0x2] =	wrdreg s24  }
0xaf: {  	[dreg:$0x3] =	wrdreg s2  }
0xb0: {  	[dreg:$0x4] =	wrdreg $0x5FA00  }
0xb1: {  	[dreg:$0x5] =	wrdreg $0x9  }
0xb2: {  	_ =	task.clear_ibuf [dreg:s7], $0x6FFFF;
	_ =	strace $0x90000046  }
0xb3: {  	s29 =	simm.s32 $0x9;
	_ =	strace $0x80000048  }
0xb4: {  	_ =	swait.ge [sflag:s29], $0x1  }
0xb5: {  	[sflag:s29] =	ssyncadd.s32 $0xFFFFFFFF  }
0xb6: {  	_ =	strace $0x90000048  }
0xb7: {  	_ =	sfence  }
0xb8: {  	s30 =	sld [smem:$0x0];
	_ =	sdelay $0x2  }
0xb9: {  	s31 =	sshll.u32 s1, $0xD;
	s1 =	sshrl.u32 s1, $0x2  }
0xba: {  	s3 =	sand.u32 $0x4000, s31;
	s1 =	sadd.s32 s1, s30  }
0xbb: {  	s0 =	sor.u32 s3, s0;
	s1 =	sshll.u32 s1, $0x11  }
0xbc: {  	s0 =	sor.u32 s1, s0  }
0xbd: {  	s0 =	sadd.s32 $0x8F2B, s0  }
0xbe: {  	[sflag:s0] =	ssyncadd.remote.s32 $0x1  }
0xbf: {  	_ =	sfence.sel $0xFFFF  }
0xc0: {  	[dreg:$0x0] =	wrdreg $0xFFFFFFFF;
	(pc) =	sbr.abs _section_cstart, $3  }
0xc1: {  	[dreg:$0x1] =	wrdreg $0xFFFFFFFF  }
0xc2: {  	_ =	task.clear_ibuf [dreg:s7], $0x2FFFF;
	_ =	strace $0x9FFFFFFF  }
0xc3: {  	(tm) =	ssettm $0x7FFFFFFF  }
tec
execute0_lowered:
.L_overlay_start_1:
0x0: {  	(tag) =	ssettag $0x1  }
0x1: {  	s9 =	rddreg [dreg:$0x0]  }
0x2: {  	s2 =	rddreg [dreg:$0x1]  }
0x3: {  	s3 =	rddreg [dreg:$0x2]  }
0x4: {  	s0 =	rddreg [dreg:$0x3]  }
0x5: {  	s4 =	simm.s32 $0x0;
	s1 =	stileid.u32;
	s5 =	srdreg.scid  }
0x6: {  	s16 =	simm.s32 $0x50;
	s17 =	simm.s32 $0xA0;
	s18 =	simm.s32 $0x5A0  }
0x7: {  	s19 =	simm.s32 $0xAA0;
	s20 =	simm.s32 $0x1;
	s21 =	simm.s32 $0x2  }
0x8: {  	s22 =	simm.s32 $0x3;
	s23 =	simm.s32 $0x32A0;
	[smem:$0x7FF] =	sst s4  }
0x9: {  	s10 =	smul.u32 $0x16800, s1;
	s11 =	sand.u32 $0x1, s5;
	s5 =	sadd.s32 $0x14E00, s9  }
0xa: {  	s6 =	sadd.s32 $0x19E00, s9;
	s7 =	sadd.s32 $0xB000, s9;
	s8 =	sadd.s32 $0x1200, s9  }
0xb: {  	s31 =	sshll.u32 s1, $0x6;
	_ =	strace $0x80000047;
	s12 =	smul.u32 $0x168000, s11  }
0xc: {  	s14 =	ssub.s32 $0x2, s11;
	s29 =	sshll.u32 s11, $0x4;
	s13 =	sshrl.u32 s10, $0x3  }
0xd: {  	s15 =	sshrl.u32 s14, $0x1;
	s30 =	sadd.s32 s10, s3;
	s11 =	sor.u32 s1, s29  }
0xe: {  	s12 =	sadd.s32 s10, s12;
	s13 =	sadd.s32 s13, s9;
	s14 =	ssub.s32 s14, s15  }
0xf: {  	s10 =	sor.u32 $0x1C04, s31;
	s11 =	smul.u32 $0x2710, s11;
	s12 =	sshrl.u32 s12, $0x3  }
0x10: {  	s15 =	simm.s32 $0x4;
	s12 =	sadd.s32 s12, s9;
	s9 =	sadd.s32 $0x1EE00, s13  }
0x11: {  	s13 =	smax.u32 s14, $0x1;
	s14 =	sshrl.u32 s30, $0x3;
	s12 =	sadd.s32 $0x4BE00, s12  }
.LBB2_1:
0x12: {  	[spmem:s14], [sflag:s10] =	dma.local [hbm:s9], $0x2D00  }
0x13: {  	_ =	swait.ge [sflag:s15], $0x2D00  }
0x14: {  	[sflag:s15] =	ssyncset.done $0x0  }
0x15: {  	[sflag:s15] =	ssyncadd.s32 $0xFFFFD300  }
0x16: {  	s24 =	simm.s32 $0x0;
	[bflag:$0x0] =	sbarrier.arrive $0xFFFF  }
.LBB2_2:
0x17: {  	s25 =	smul.u32 $0x50, s24;
	_ =	sdelay $0x1  }
0x18: {  	s25 =	sadd.s32 s11, s25  }
0x19: {  	s25 =	sshrl.u32 s25, $0x3  }
0x1a: {  	s28 =	simm.s32 $0x0;
	s26 =	sadd.s32 s7, s25  }
0x1b: {  	[tilespmem:s28], [sflag:$0x4] =	stream.linear.gather [hbm4b:s26+s28], $0x50, $0x38;
	[tilespmem:$0x1C7A0] =	vst v63  }
0x1c: {  	_ =	swait.ge [sflag:s15], $0x50  }
0x1d: {  	[sflag:s15] =	ssyncset.done $0x0  }
0x1e: {  	s25 =	sadd.s32 s8, s25;
	[sflag:s15] =	ssyncadd.s32 $0xFFFFFFB0  }
0x1f: {  	[tilespmem:s16], [sflag:$0x4] =	stream.linear.gather [hbm4b:s25+s28], $0x50, $0x38;
	[tilespmem:$0x1C7A0] =	vst v63  }
0x20: {  	_ =	swait.ge [sflag:s15], $0x50  }
0x21: {  	[sflag:s15] =	ssyncset.done $0x0  }
0x22: {  	[sflag:s15] =	ssyncadd.s32 $0xFFFFFFB0  }
0x23: {  	[tilespmem:s17], [sflag:$0x1] =	stream.indirect.gather [hbm4b:s5+s16], $0x10, s28, s16, $0xb8;
	[tilespmem:$0x1C7A0] =	vst v63  }
0x24: {  	_ = 	snop  }
0x25: {  	[tilespmem:s18], [sflag:$0x2] =	stream.indirect.gather [hbm4b:s6+s16], $0x10, s16, s16, $0xb8;
	[tilespmem:$0x1C7A0] =	vst v63  }
0x26: {  	_ = 	snop  }
0x27: {  	[tilespmem:s19], [sflag:$0x3] =	stream.indirect.gather [hbm4b:s2+s16], $0x80, s28, s16, $0xb8;
	[tilespmem:$0x1C7A0] =	vst v63  }
0x28: {  	_ =	swait.ge [sflag:s20], $0x500  }
0x29: {  	[sflag:s20] =	ssyncset.done $0x0  }
0x2a: {  	[sflag:s20] =	ssyncadd.s32 $0xFFFFFB00  }
0x2b: {  	_ =	swait.ge [sflag:s21], $0x500  }
0x2c: {  	[sflag:s21] =	ssyncset.done $0x0  }
0x2d: {  	[sflag:s21] =	ssyncadd.s32 $0xFFFFFB00  }
0x2e: {  	_ =	swait.ge [sflag:s22], $0x2800  }
0x2f: {  	[sflag:s22] =	ssyncset.done $0x0  }
0x30: {  	s31 =	simm.s32 $0x0;
	[sflag:s22] =	ssyncadd.s32 $0xFFFFD800  }
0x31: {  	v0 =	vld [tilespmem:s31+$0xA0]  }
0x32: {  	v1 =	vld [tilespmem:s31+$0x5A0];
	_ =	sdelay $0x4  }
0x33: {  	v0 =	vadd.f32 v1, v0;
	_ =	sdelay $0x1  }
0x34: {  	v1 =	vmul.f32 $2.000000030e-01, v0  }
0x35: {  	vm0 =	vge.f32 v0, $0.0e+00  }
0x36: {  	v0 =	vsel vm0, v0, v1  }
0x37: {  	v0 =	vmul.f32 $1.442695020e+00, v0;
	_ =	sdelay $0x1  }
0x38: {  	(erf) = vpow2.f32 v0;
	_ =	sdelay $0x8  }
0x39: {  	s25 =	simm.s32 $0x32E0;
	v0 =	vpop (erf)  }
0x3a: {  	s26 =	simm.s32 $0xAE0;
	[tilespmem:s25+$0x40] =	vst v0  }
0x3b: {  	v1 =	vld [tilespmem:s26+$0xFFFFFFC0];
	_ =	sdelay $0x4  }
0x3c: {  	v1 =	vmul.f32 v0, v1;
	_ =	sdelay $0x1  }
0x3d: {  	[tilespmem:s25+$0xFFFFFFC0] =	vst v1  }
0x3e: {  	v1 =	vld [tilespmem:s26+$0xFFFFFFD0];
	_ =	sdelay $0x4  }
0x3f: {  	v1 =	vmul.f32 v0, v1;
	_ =	sdelay $0x1  }
0x40: {  	[tilespmem:s25+$0xFFFFFFD0] =	vst v1  }
0x41: {  	v1 =	vld [tilespmem:s26+$0xFFFFFFE0];
	_ =	sdelay $0x4  }
0x42: {  	v1 =	vmul.f32 v1, v0;
	_ =	sdelay $0x1  }
0x43: {  	[tilespmem:s25+$0xFFFFFFE0] =	vst v1  }
0x44: {  	v1 =	vld [tilespmem:s26+$0xFFFFFFF0];
	_ =	sdelay $0x4  }
0x45: {  	v1 =	vmul.f32 v1, v0;
	_ =	sdelay $0x1  }
0x46: {  	[tilespmem:s25+$0xFFFFFFF0] =	vst v1  }
0x47: {  	v1 =	vld [tilespmem:s26+$0x0];
	_ =	sdelay $0x4  }
0x48: {  	v1 =	vmul.f32 v1, v0;
	_ =	sdelay $0x1  }
0x49: {  	[tilespmem:s25+$0x0] =	vst v1  }
0x4a: {  	v1 =	vld [tilespmem:s26+$0x10];
	_ =	sdelay $0x4  }
0x4b: {  	v1 =	vmul.f32 v1, v0;
	_ =	sdelay $0x1  }
0x4c: {  	[tilespmem:s25+$0x10] =	vst v1  }
0x4d: {  	v1 =	vld [tilespmem:s26+$0x20];
	_ =	sdelay $0x4  }
0x4e: {  	v1 =	vmul.f32 v1, v0;
	_ =	sdelay $0x1  }
0x4f: {  	[tilespmem:s25+$0x20] =	vst v1  }
0x50: {  	v1 =	vld [tilespmem:s26+$0x30];
	_ =	sdelay $0x4  }
0x51: {  	v0 =	vmul.f32 v1, v0;
	_ =	sdelay $0x1  }
0x52: {  	s29 =	simm.s32 $0x10;
	[tilespmem:s25+$0x30] =	vst v0  }
0x53: {  	s28 =	simm.s32 $0x80;
	v0 =	vld [tilespmem:s29+$0xA0]  }
.LBB2_3:
0x54: {  	p0 =	sne.s32 s28, $0x13C0;
	v1 =	vld [tilespmem:s29+$0x5A0];
	_ =	sdelay $0x4  }
0x55: {  	v0 =	vadd.f32 v1, v0;
	_ =	sdelay $0x1  }
0x56: {  	v1 =	vmul.f32 $2.000000030e-01, v0  }
0x57: {  	vm0 =	vge.f32 v0, $0.0e+00  }
0x58: {  	v0 =	vsel vm0, v0, v1  }
0x59: {  	v0 =	vmul.f32 $1.442695020e+00, v0;
	_ =	sdelay $0x1  }
0x5a: {  	(erf) = vpow2.f32 v0;
	_ =	sdelay $0x8  }
0x5b: {  	s25 =	sadd.s32 $0x90, s25;
	v0 =	vpop (erf)  }
0x5c: {  	s26 =	sadd.s32 $0x80, s26;
	[tilespmem:s25+$0x40] =	vst v0  }
0x5d: {  	v1 =	vld [tilespmem:s26+$0xFFFFFFC0];
	_ =	sdelay $0x4  }
0x5e: {  	v1 =	vmul.f32 v0, v1;
	_ =	sdelay $0x1  }
0x5f: {  	[tilespmem:s25+$0xFFFFFFC0] =	vst v1  }
0x60: {  	v1 =	vld [tilespmem:s26+$0xFFFFFFD0];
	_ =	sdelay $0x4  }
0x61: {  	v1 =	vmul.f32 v0, v1;
	_ =	sdelay $0x1  }
0x62: {  	[tilespmem:s25+$0xFFFFFFD0] =	vst v1  }
0x63: {  	v1 =	vld [tilespmem:s26+$0xFFFFFFE0];
	_ =	sdelay $0x4  }
0x64: {  	v1 =	vmul.f32 v1, v0;
	_ =	sdelay $0x1  }
0x65: {  	[tilespmem:s25+$0xFFFFFFE0] =	vst v1  }
0x66: {  	v1 =	vld [tilespmem:s26+$0xFFFFFFF0];
	_ =	sdelay $0x4  }
0x67: {  	v1 =	vmul.f32 v1, v0;
	_ =	sdelay $0x1  }
0x68: {  	[tilespmem:s25+$0xFFFFFFF0] =	vst v1  }
0x69: {  	v1 =	vld [tilespmem:s26+$0x0];
	_ =	sdelay $0x4  }
0x6a: {  	v1 =	vmul.f32 v1, v0;
	_ =	sdelay $0x1  }
0x6b: {  	[tilespmem:s25+$0x0] =	vst v1  }
0x6c: {  	v1 =	vld [tilespmem:s26+$0x10];
	_ =	sdelay $0x4  }
0x6d: {  	v1 =	vmul.f32 v1, v0;
	_ =	sdelay $0x1  }
0x6e: {  	[tilespmem:s25+$0x10] =	vst v1  }
0x6f: {  	v1 =	vld [tilespmem:s26+$0x20];
	_ =	sdelay $0x4  }
0x70: {  	v1 =	vmul.f32 v1, v0;
	_ =	sdelay $0x1  }
0x71: {  	[tilespmem:s25+$0x20] =	vst v1  }
0x72: {  	v1 =	vld [tilespmem:s26+$0x30];
	_ =	sdelay $0x3  }
.Ltmp0:
0x73: {  	(pc) =	sbr.rel @p0 .LBB2_3-.Ltmp0, $3  }
0x74: {  	v0 =	vmul.f32 v1, v0;
	_ =	sdelay $0x1  }
0x75: {  	s29 =	sshra.s32 s28, $0x2;
	[tilespmem:s25+$0x30] =	vst v0  }
0x76: {  	s28 =	sadd.s32 $0x40, s28;
	v0 =	vld [tilespmem:s29+$0xA0]  }
0x77: {  	v1 =	vld [tilespmem:s29+$0x5A0];
	_ =	sdelay $0x4  }
0x78: {  	v0 =	vadd.f32 v1, v0;
	_ =	sdelay $0x1  }
0x79: {  	v1 =	vmul.f32 $2.000000030e-01, v0  }
0x7a: {  	vm0 =	vge.f32 v0, $0.0e+00  }
0x7b: {  	v0 =	vsel vm0, v0, v1  }
0x7c: {  	v0 =	vmul.f32 $1.442695020e+00, v0;
	_ =	sdelay $0x1  }
0x7d: {  	(erf) = vpow2.f32 v0;
	_ =	sdelay $0x8  }
0x7e: {  	s25 =	sadd.s32 $0x90, s25;
	v0 =	vpop (erf)  }
0x7f: {  	s26 =	sadd.s32 $0x80, s26;
	[tilespmem:s25+$0x40] =	vst v0  }
0x80: {  	v63 =	vld [tilespmem:s26+$0xFFFFFFC0];
	_ =	sdelay $0x4  }
0x81: {  	v1 =	vmul.f32 v0, v63;
	_ =	sdelay $0x1  }
0x82: {  	[tilespmem:s25+$0xFFFFFFC0] =	vst v1  }
0x83: {  	v1 =	vld [tilespmem:s26+$0xFFFFFFD0];
	_ =	sdelay $0x4  }
0x84: {  	v1 =	vmul.f32 v0, v1;
	_ =	sdelay $0x1  }
0x85: {  	[tilespmem:s25+$0xFFFFFFD0] =	vst v1  }
0x86: {  	v1 =	vld [tilespmem:s26+$0xFFFFFFE0];
	_ =	sdelay $0x4  }
0x87: {  	v1 =	vmul.f32 v1, v0;
	_ =	sdelay $0x1  }
0x88: {  	[tilespmem:s25+$0xFFFFFFE0] =	vst v1  }
0x89: {  	v1 =	vld [tilespmem:s26+$0xFFFFFFF0];
	_ =	sdelay $0x4  }
0x8a: {  	v1 =	vmul.f32 v1, v0;
	_ =	sdelay $0x1  }
0x8b: {  	[tilespmem:s25+$0xFFFFFFF0] =	vst v1  }
0x8c: {  	v1 =	vld [tilespmem:s26+$0x0];
	_ =	sdelay $0x4  }
0x8d: {  	v1 =	vmul.f32 v1, v0;
	_ =	sdelay $0x1  }
0x8e: {  	[tilespmem:s25+$0x0] =	vst v1  }
0x8f: {  	v1 =	vld [tilespmem:s26+$0x10];
	_ =	sdelay $0x4  }
0x90: {  	v1 =	vmul.f32 v1, v0;
	_ =	sdelay $0x1  }
0x91: {  	[tilespmem:s25+$0x10] =	vst v1  }
0x92: {  	v1 =	vld [tilespmem:s26+$0x20];
	_ =	sdelay $0x4  }
0x93: {  	v1 =	vmul.f32 v1, v0;
	_ =	sdelay $0x1  }
0x94: {  	[tilespmem:s25+$0x20] =	vst v1  }
0x95: {  	v1 =	vld [tilespmem:s26+$0x30];
	_ =	sdelay $0x4  }
0x96: {  	s24 =	sadd.s32 $0x1, s24;
	v0 =	vmul.f32 v1, v0  }
0x97: {  	p0 =	sne.s32 s24, $0x7D  }
.Ltmp1:
0x98: {  	[tilespmem:s25+$0x30] =	vst v0;
	(pc) =	sbr.rel @p0 .LBB2_2-.Ltmp1, $4  }
0x99: {  	[spmem:s3] =	stream.indirect.scatter.add.f32 [tilespmem:s23], [sflag:$0x4], $0x90, s16, s16, $0xb8;
	[tilespmem:$0x1C7A0] =	vst v63  }
0x9a: {  	_ =	swait.ge [sflag:s15], $0x2D00  }
0x9b: {  	[sflag:s15] =	ssyncset.done $0x0  }
0x9c: {  	[sflag:s15] =	ssyncadd.s32 $0xFFFFD300  }
0x9d: {  	s4 =	sadd.s32 $0x1, s4  }
0x9e: {  	p0 =	sne.s32 s4, s13  }
.Ltmp2:
0x9f: {  	[bflag:$0x0] =	sbarrier.arrive $0xFFFF;
	(pc) =	sbr.rel @p0 .LBB2_1-.Ltmp2, $4  }
0xa0: {  	[hbm:s12], [sflag:s10] =	dma.local [spmem:s14], $0x2D00  }
0xa1: {  	_ =	swait.ge [sflag:s15], $0x2D00  }
0xa2: {  	[sflag:s15] =	ssyncset.done $0x0  }
0xa3: {  	[sflag:s15] =	ssyncadd.s32 $0xFFFFD300  }
0xa4: {  	_ =	sfence.sel $0x180000  }
0xa5: {  	[bflag:$0x0] =	sbarrier.arrive $0xFFFF  }
0xa6: {  	p0 =	sne.s32 s1, $0x0;
	_ =	strace $0x90000047  }
0xa7: {  	s0 =	sadd.s32 @!p0 $0x100000, s0;
	[bflag:$0x2] =	sbarrier.arrive $0xFFFF  }
0xa8: {  	[sflag:s0] =	ssyncadd.tile.s32 @!p0 $0x1;
	_ =	shalt  }
.Lfunc_end2:
_tile_overlayer_lowered:
.L_overlay_start_2:
0xa9: {  	(tag) =	ssettag $0x2  }
0xaa: {  	s0 =	rddreg [dreg:$0x0];
	s2 =	stileid.u32  }
0xab: {  	s1 =	rddreg [dreg:$0x1];
	p0 =	sne.s32 s2, $0x0  }
0xac: {  	s3 =	rddreg [dreg:$0x2];
	[bflag:$0x3] =	sbarrier.arrive $0xFFFF;
	s2 =	simm.s32 @!p0 $0x1C04  }
0xad: {  	[timem:s3], [sflag:s2] =	dma.local @!p0 [hbm:s0], s1  }
0xae: {  	s0 =	simm.s32 @!p0 $0x4  }
0xaf: {  	_ =	swait.ge @!p0 [sflag:s0], s1  }
0xb0: {  	s1 =	ssub.s32 @!p0 $0x0, s1;
	[sflag:s0] =	ssyncset.done @!p0 $0x0  }
0xb1: {  	[sflag:s0] =	ssyncadd.s32 @!p0 s1  }
0xb2: {  	[bflag:$0x3] =	sbarrier.arrive $0xFFFF  }
0xb3: {  	_ =	shalt  }

</sc_bundles>
